<compile_context>
chip_gen: v7x
topology: tpu7x:2x2x1
jax: 0.10.2.dev20260603
libtpu: 0.0.44.dev20260713+nightly
codegen_flags: <defaults>
</compile_context>

<pallas_src>
import jax
import jax.numpy as jnp
from jax import lax
from jax.experimental import pallas as pl
from jax.experimental.pallas import tpu as pltpu
from jax.experimental.pallas import tpu_sc as plsc

_N = 512
_B = 16
_ES = 128
_WD = 300
_V = 30000
_RATIO = 0.2
_HI = lax.Precision.HIGHEST
_VCHUNK = 7680

def _proj_body(embt_ref, w1_ref, out_ref):
    out_ref[...] = lax.dot_general(
        embt_ref[...], w1_ref[...],
        dimension_numbers=(((0,), (0,)), ((), ())))


_PROJ_CALL = pl.pallas_call(
    _proj_body,
    grid=(_V // _VCHUNK + (_V % _VCHUNK != 0),),
    in_specs=[
        pl.BlockSpec((_WD, _VCHUNK), lambda j: (0, j)),
        pl.BlockSpec((_WD, _ES), lambda j: (0, 0)),
    ],
    out_specs=pl.BlockSpec((_VCHUNK, _ES), lambda j: (j, 0)),
    out_shape=jax.ShapeDtypeStruct((_V, _ES), jnp.float32),
)

_NW = 32
_RW = _N // _NW


def _sc_gather_body(table, idx_hbm, out, idx_v, rows_v, sem):
    wid = lax.axis_index("s") * 2 + lax.axis_index("c")
    base = wid * _RW
    pltpu.sync_copy(idx_hbm.at[pl.ds(base, _RW)], idx_v)
    pltpu.async_copy(table.at[idx_v], rows_v, sem).wait()
    pltpu.sync_copy(rows_v, out.at[pl.ds(base, _RW)])


def _sc_gather(table, idx):
    k = pl.kernel(
        _sc_gather_body,
        out_type=jax.ShapeDtypeStruct((_N, _ES), jnp.float32),
        mesh=plsc.VectorSubcoreMesh(core_axis_name="c", subcore_axis_name="s"),
        scratch_types=[
            pltpu.VMEM((_RW,), jnp.int32),
            pltpu.VMEM((_RW, _ES), jnp.float32),
            pltpu.SemaphoreType.DMA,
        ],
    )
    return k(table, idx)


def _dense_body(adj_ref, h1_ref, brow_ref,
                b1_ref, w2_ref, b2_ref, wl_ref, bl_ref,
                pwr_ref, pwl_ref, pb_ref,
                f1_ref, fb1_ref, f2_ref, fb2_ref, fl_ref, fbl_ref,
                lfw_ref, lfb_ref, out_ref):
    f32 = jnp.float32
    adj = adj_ref[...]
    w = ((adj + adj.T) > 0).astype(f32)
    wb = w.astype(jnp.bfloat16)
    deg = jnp.sum(w, axis=1, keepdims=True) + 1.0
    dinv = lax.rsqrt(deg)
    dinv2 = dinv * dinv

    def wdot(v):
        v1 = v.astype(jnp.bfloat16)
        r1 = v - v1.astype(f32)
        v2 = r1.astype(jnp.bfloat16)
        v3 = (r1 - v2.astype(f32)).astype(jnp.bfloat16)
        d = lambda a: lax.dot_general(wb, a, (((1,), (0,)), ((), ())),
                                      preferred_element_type=f32)
        return d(v1) + d(v2) + d(v3)

    def gcn_h(h, b, dv, dv2, keep):
        v = h * dv
        if keep is not None:
            v = v * keep
        u = wdot(v)
        if keep is not None:
            u = u * keep
        return u * dv + h * dv2 + b

    relu = lambda t: jnp.maximum(t, 0.0)

    x1 = relu(gcn_h(h1_ref[...], b1_ref[...], dinv, dinv2, None))
    h2 = jnp.dot(x1, w2_ref[...])
    x2 = relu(gcn_h(h2, b2_ref[...], dinv, dinv2, None))
    x = relu(jnp.dot(jnp.concatenate([x1, x2], axis=1), wl_ref[...])
             + bl_ref[...])

    brow = brow_ref[...]
    bcol = brow.T
    m_bn = (lax.broadcasted_iota(jnp.int32, (_B, _N), 0) == brow).astype(f32)
    m_nb = (lax.broadcasted_iota(jnp.int32, (_N, _B), 1) == bcol).astype(f32)
    counts = jnp.sum(m_bn, axis=1, keepdims=True)
    xs0 = jnp.dot(m_bn, x, precision=_HI) / jnp.maximum(counts, 1.0)

    aggr = wdot(x)
    score = (jnp.dot(aggr, pwl_ref[...])
             + jnp.dot(x, pwr_ref[...]) + pb_ref[...])
    score_row = score.T

    kk = jnp.ceil(_RATIO * counts)
    k_node = jnp.dot(m_nb, kk, precision=_HI)

    same = bcol == brow
    ii = lax.broadcasted_iota(jnp.int32, (_N, _N), 0)
    jj = lax.broadcasted_iota(jnp.int32, (_N, _N), 1)
    beats = (score_row > score) | ((score_row == score) & (jj < ii))
    rank = jnp.sum(jnp.where(same & beats, 1.0, 0.0), axis=1, keepdims=True)
    keep = (rank < k_node).astype(f32)

    xg = x * jnp.tanh(score)
    deg2 = 1.0 + keep * jnp.sum(w * keep.T, axis=1, keepdims=True)
    db = lax.rsqrt(deg2)
    db2 = db * db

    g1 = jnp.dot(xg, f1_ref[...])
    y1 = relu(gcn_h(g1, fb1_ref[...], db, db2, keep))
    g2 = jnp.dot(y1, f2_ref[...])
    y2 = relu(gcn_h(g2, fb2_ref[...], db, db2, keep))
    out2 = jnp.dot(jnp.concatenate([y1, y2], axis=1), fl_ref[...]) + fbl_ref[...]

    c1 = jnp.dot(m_bn, keep, precision=_HI)
    xs1 = jnp.dot(m_bn, out2 * keep, precision=_HI) / jnp.maximum(c1, 1.0)

    feat = jnp.dot(jnp.concatenate([xs0, xs1], axis=1), lfw_ref[...]) + lfb_ref[...]
    nrm = jnp.sqrt(jnp.sum(feat * feat, axis=1, keepdims=True))
    out_ref[...] = feat / (nrm + 1e-10)


_DENSE_CALL = pl.pallas_call(
    _dense_body,
    out_shape=jax.ShapeDtypeStruct((_B, _ES), jnp.float32),
)


def kernel(nodes_flat, adj_flat, batch, lengths, emb, ge_W1, ge_b1, ge_W2,
           ge_b2, ge_Wl, ge_bl, p_Wr, p_Wl, p_b, gf_W1, gf_b1, gf_W2, gf_b2,
           gf_Wl, gf_bl, lf_W, lf_b):
    del lengths
    p = _PROJ_CALL(emb.T, ge_W1)
    h1 = _sc_gather(p, nodes_flat.astype(jnp.int32))
    return _DENSE_CALL(
        adj_flat, h1,
        batch.astype(jnp.int32).reshape(1, _N),
        ge_b1.reshape(1, _ES), ge_W2, ge_b2.reshape(1, _ES),
        ge_Wl, ge_bl.reshape(1, _ES),
        p_Wr, p_Wl, p_b.reshape(1, 1),
        gf_W1, gf_b1.reshape(1, _ES), gf_W2, gf_b2.reshape(1, _ES),
        gf_Wl, gf_bl.reshape(1, _ES),
        lf_W, lf_b.reshape(1, _ES))

# --- scband reference (transcript-rebuilt; emitter-appended) ---
"""Pipeline reference for scband-encoder-sagpool-48275432407778 (READ-ONLY COPY).

The authoritative reference and input builder live on the scoring server;
editing this copy changes nothing except your own understanding.
"""

import jax, jax.numpy as jnp
import numpy as np

N = 512
B = 16
VOCAB = 30000
WD = 300
ES = 128
RATIO = 0.2


def _glorot(key, shape):
    lim = (6.0 / (shape[0] + shape[1])) ** 0.5
    return jax.random.uniform(key, shape, minval=-lim, maxval=lim, dtype=jnp.float32)


def setup_inputs(seed: int = 0):
    key = jax.random.key(seed)
    ks = jax.random.split(key, 24)
    inp = {}
    inp['nodes_flat'] = jax.random.randint(ks[0], (N,), 0, VOCAB)
    inp['adj_flat'] = jax.random.randint(ks[1], (N, N), 0, 2).astype(jnp.float32)
    inp['batch'] = jnp.sort(jax.random.randint(ks[2], (N,), 0, B))
    inp['lengths'] = jax.random.randint(ks[3], (B,), 1, 80)
    inp['emb'] = jax.random.normal(ks[4], (VOCAB, WD), dtype=jnp.float32) * 0.02
    inp['ge_W1'] = _glorot(ks[5], (WD, ES)); inp['ge_b1'] = jnp.zeros((ES,), jnp.float32)
    inp['ge_W2'] = _glorot(ks[6], (ES, ES)); inp['ge_b2'] = jnp.zeros((ES,), jnp.float32)
    inp['ge_Wl'] = _glorot(ks[7], (2 * ES, ES)); inp['ge_bl'] = jnp.zeros((ES,), jnp.float32)
    inp['p_Wr'] = _glorot(ks[8], (ES, 1)); inp['p_Wl'] = _glorot(ks[9], (ES, 1)); inp['p_b'] = jnp.zeros((1,), jnp.float32)
    inp['gf_W1'] = _glorot(ks[10], (ES, ES)); inp['gf_b1'] = jnp.zeros((ES,), jnp.float32)
    inp['gf_W2'] = _glorot(ks[11], (ES, ES)); inp['gf_b2'] = jnp.zeros((ES,), jnp.float32)
    inp['gf_Wl'] = _glorot(ks[12], (2 * ES, ES)); inp['gf_bl'] = jnp.zeros((ES,), jnp.float32)
    inp['lf_W'] = _glorot(ks[13], (2 * ES, ES)); inp['lf_b'] = jnp.zeros((ES,), jnp.float32)
    return inp


def _gcn(x, W, b, src, dst, w, n):
    h = x @ W
    sl = jnp.arange(n)
    s = jnp.concatenate([src, sl])
    d = jnp.concatenate([dst, sl])
    wf = jnp.concatenate([w, jnp.ones((n,), dtype=h.dtype)])
    deg = jax.ops.segment_sum(wf, d, num_segments=n)
    dinv = jnp.where(deg > 0, deg ** -0.5, 0.0)
    norm = dinv[s] * dinv[d] * wf
    out = jax.ops.segment_sum(h[s] * norm[:, None], d, num_segments=n)
    return out + b


def _block(x, src, dst, w, n, W1, b1, W2, b2, Wl, bl):
    x1 = jax.nn.relu(_gcn(x, W1, b1, src, dst, w, n))
    x2 = jax.nn.relu(_gcn(x1, W2, b2, src, dst, w, n))
    return jnp.concatenate([x1, x2], -1) @ Wl + bl


def _gmp(x, batch, nb, w):
    s = jax.ops.segment_sum(x * w[:, None], batch, num_segments=nb)
    c = jax.ops.segment_sum(w, batch, num_segments=nb)
    return s / jnp.maximum(c, 1.0)[:, None]


def reference(nodes_flat, adj_flat, batch, lengths, emb, ge_W1, ge_b1, ge_W2, ge_b2, ge_Wl, ge_bl, p_Wr, p_Wl, p_b, gf_W1, gf_b1, gf_W2, gf_b2, gf_Wl, gf_bl, lf_W, lf_b):
    n = nodes_flat.shape[0]
    src = jnp.repeat(jnp.arange(n), n)
    dst = jnp.tile(jnp.arange(n), n)
    we = ((adj_flat + adj_flat.T) > 0).reshape(-1).astype(jnp.float32)
    x = emb[nodes_flat]
    x = jax.nn.relu(_block(x, src, dst, we, n, ge_W1, ge_b1, ge_W2, ge_b2, ge_Wl, ge_bl))
    xs0 = _gmp(x, batch, B, jnp.ones((n,), x.dtype))
    aggr = jax.ops.segment_sum(x[src] * we[:, None], dst, num_segments=n)
    score = (aggr @ p_Wl + x @ p_Wr + p_b)[:, 0]
    counts = jax.ops.segment_sum(jnp.ones((n,), jnp.int32), batch, num_segments=B)
    k = jnp.ceil(RATIO * counts.astype(jnp.float32)).astype(jnp.int32)
    order = jnp.lexsort((-score, batch))
    starts = jnp.cumsum(counts) - counts
    gb = batch[order]
    valid = (jnp.arange(n) - starts[gb]) < k[gb]
    wnode = valid.astype(x.dtype)
    x2 = x[order] * jnp.tanh(score[order])[:, None]
    batch2 = gb
    pos = jnp.zeros((n,), order.dtype).at[order].set(jnp.arange(n, dtype=order.dtype))
    keepn = jnp.zeros((n,), x.dtype).at[order].set(wnode)
    src2 = pos[src]
    dst2 = pos[dst]
    w2 = we * keepn[src] * keepn[dst]
    x2 = _block(x2, src2, dst2, w2, n, gf_W1, gf_b1, gf_W2, gf_b2, gf_Wl, gf_bl)
    xs1 = _gmp(x2, batch2, B, wnode)
    feat = jnp.concatenate([xs0, xs1], -1) @ lf_W + lf_b
    nrm = jnp.sqrt(jnp.sum(feat * feat, axis=1, keepdims=True))
    feat = feat / (nrm + 1e-10)
    return feat

if __name__ == "__main__":
    import jax
    _d = setup_inputs()
    print(jax.jit(kernel)(*tuple(_d.values())))

</pallas_src>

<mosaic_0001>
#map = affine_map<(d0, d1) -> (0, 0)>
#map1 = affine_map<(d0, d1) -> (0)>
module attributes {stable_mosaic.version = 14 : i64} {
  func.func @_sc_gather_body(%arg0: i32, %arg1: i32, %arg2: memref<30000x128xf32, #tpu.memory_space<hbm>>, %arg3: memref<512xi32, #tpu.memory_space<hbm>>, %arg4: memref<512x128xf32, #tpu.memory_space<hbm>>, %arg5: memref<16xi32, #tpu.memory_space<vmem>>, %arg6: memref<16x128xf32, #tpu.memory_space<vmem>>, %arg7: memref<!tpu.dma_semaphore, #tpu.memory_space<semaphore_mem>>) attributes {dimension_semantics = [#tpu.dimension_semantics<core_parallel>, #tpu.dimension_semantics<subcore_parallel>], iteration_bounds = array<i64: 2, 16>, scalar_prefetch = 0 : i64, scratch_operands = 3 : i64, tpu.core_type = #tpu.core_type<sc_vector_subcore>, window_params = [{transform_indices = #map}, {transform_indices = #map1}, {transform_indices = #map}]} {
    %mul3A = arith.constant 2 : i32
    %mul3A_0 = arith.muli %arg1, %mul3A : i32
    %add3A = arith.addi %mul3A_0, %arg0 : i32
    %mul3A_1 = arith.constant 16 : i32
    %mul3A_2 = arith.muli %add3A, %mul3A_1 : i32
    "tpu.region"() ({
      %run_scoped3A = tpu.sem_alloc : memref<!tpu.dma_semaphore, #tpu.memory_space<semaphore_mem>>
      %dma_start3A_7 = tpu.memref_slice %arg3[%mul3A_2] : memref<512xi32, #tpu.memory_space<hbm>> -> memref<16xi32, #tpu.memory_space<hbm>>
      %dma_start3A_8 = tpu.memref_slice %arg3[%mul3A_2] : memref<512xi32, #tpu.memory_space<hbm>> -> memref<16xi32, #tpu.memory_space<hbm>>
      tpu.enqueue_dma source(%dma_start3A_8 : memref<16xi32, #tpu.memory_space<hbm>>) target(%arg5 : memref<16xi32, #tpu.memory_space<vmem>>) target_semaphore(%run_scoped3A : memref<!tpu.dma_semaphore, #tpu.memory_space<semaphore_mem>>)
      %dma_wait3A_9 = tpu.memref_slice %arg3[%mul3A_2] : memref<512xi32, #tpu.memory_space<hbm>> -> memref<16xi32, #tpu.memory_space<hbm>>
      %dma_wait3A_10 = tpu.memref_slice %arg3[%mul3A_2] : memref<512xi32, #tpu.memory_space<hbm>> -> memref<16xi32, #tpu.memory_space<hbm>>
      tpu.wait_dma2 semaphore(%run_scoped3A : memref<!tpu.dma_semaphore, #tpu.memory_space<semaphore_mem>>) src(%dma_wait3A_10 : memref<16xi32, #tpu.memory_space<hbm>>) dst(%arg5 : memref<16xi32, #tpu.memory_space<vmem>>)
      tpu.yield
    }) : () -> ()
    %dma_start3A = arith.constant 0 : i32
    %dma_start3A_3 = arith.constant 0 : i32
    %dma_start3A_4 = tpu.memref_slice %arg2[%dma_start3A, %dma_start3A_3] : memref<30000x128xf32, #tpu.memory_space<hbm>> -> memref<30000x128xf32, #tpu.memory_space<hbm>>
    tpu.enqueue_indirect_dma source(%dma_start3A_4 : memref<30000x128xf32, #tpu.memory_space<hbm>>) target(%arg6 : memref<16x128xf32, #tpu.memory_space<vmem>>) offsets(%arg5 : memref<16xi32, #tpu.memory_space<vmem>>) semaphore(%arg7 : memref<!tpu.dma_semaphore, #tpu.memory_space<semaphore_mem>>)
    %dma_wait3A = arith.constant 0 : i32
    %dma_wait3A_5 = arith.constant 0 : i32
    %dma_wait3A_6 = tpu.memref_slice %arg2[%dma_wait3A, %dma_wait3A_5] : memref<30000x128xf32, #tpu.memory_space<hbm>> -> memref<30000x128xf32, #tpu.memory_space<hbm>>
    tpu.wait_indirect_dma semaphore(%arg7 : memref<!tpu.dma_semaphore, #tpu.memory_space<semaphore_mem>>) src(%dma_wait3A_6 : memref<30000x128xf32, #tpu.memory_space<hbm>>) dst(%arg6 : memref<16x128xf32, #tpu.memory_space<vmem>>)
    "tpu.region"() ({
      %run_scoped3A = tpu.sem_alloc : memref<!tpu.dma_semaphore, #tpu.memory_space<semaphore_mem>>
      %dma_start3A_7 = arith.constant 0 : i32
      %dma_start3A_8 = tpu.memref_slice %arg4[%mul3A_2, %dma_start3A_7] : memref<512x128xf32, #tpu.memory_space<hbm>> -> memref<16x128xf32, #tpu.memory_space<hbm>>
      %dma_start3A_9 = arith.constant 0 : i32
      %dma_start3A_10 = tpu.memref_slice %arg4[%mul3A_2, %dma_start3A_9] : memref<512x128xf32, #tpu.memory_space<hbm>> -> memref<16x128xf32, #tpu.memory_space<hbm>>
      tpu.enqueue_dma source(%arg6 : memref<16x128xf32, #tpu.memory_space<vmem>>) target(%dma_start3A_10 : memref<16x128xf32, #tpu.memory_space<hbm>>) target_semaphore(%run_scoped3A : memref<!tpu.dma_semaphore, #tpu.memory_space<semaphore_mem>>)
      %dma_wait3A_11 = arith.constant 0 : i32
      %dma_wait3A_12 = tpu.memref_slice %arg4[%mul3A_2, %dma_wait3A_11] : memref<512x128xf32, #tpu.memory_space<hbm>> -> memref<16x128xf32, #tpu.memory_space<hbm>>
      %dma_wait3A_13 = arith.constant 0 : i32
      %dma_wait3A_14 = tpu.memref_slice %arg4[%mul3A_2, %dma_wait3A_13] : memref<512x128xf32, #tpu.memory_space<hbm>> -> memref<16x128xf32, #tpu.memory_space<hbm>>
      tpu.wait_dma2 semaphore(%run_scoped3A : memref<!tpu.dma_semaphore, #tpu.memory_space<semaphore_mem>>) src(%arg6 : memref<16x128xf32, #tpu.memory_space<vmem>>) dst(%dma_wait3A_14 : memref<16x128xf32, #tpu.memory_space<hbm>>)
      tpu.yield
    }) : () -> ()
    return
  }
}

module attributes {stable_mosaic.version = 14 : i64} {
  func.func @_dense_body(%arg0: memref<512x512xf32, #tpu.memory_space<vmem>>, %arg1: memref<512x128xf32, #tpu.memory_space<vmem>>, %arg2: memref<1x512xi32, #tpu.memory_space<vmem>>, %arg3: memref<1x128xf32, #tpu.memory_space<vmem>>, %arg4: memref<128x128xf32, #tpu.memory_space<vmem>>, %arg5: memref<1x128xf32, #tpu.memory_space<vmem>>, %arg6: memref<256x128xf32, #tpu.memory_space<vmem>>, %arg7: memref<1x128xf32, #tpu.memory_space<vmem>>, %arg8: memref<128x1xf32, #tpu.memory_space<vmem>>, %arg9: memref<128x1xf32, #tpu.memory_space<vmem>>, %arg10: memref<1x1xf32, #tpu.memory_space<vmem>>, %arg11: memref<128x128xf32, #tpu.memory_space<vmem>>, %arg12: memref<1x128xf32, #tpu.memory_space<vmem>>, %arg13: memref<128x128xf32, #tpu.memory_space<vmem>>, %arg14: memref<1x128xf32, #tpu.memory_space<vmem>>, %arg15: memref<256x128xf32, #tpu.memory_space<vmem>>, %arg16: memref<1x128xf32, #tpu.memory_space<vmem>>, %arg17: memref<256x128xf32, #tpu.memory_space<vmem>>, %arg18: memref<1x128xf32, #tpu.memory_space<vmem>>, %arg19: memref<16x128xf32, #tpu.memory_space<vmem>>) attributes {dimension_semantics = [], scalar_prefetch = 0 : i64, scratch_operands = 0 : i64, tpu.core_type = #tpu.core_type<tc>} {
    %get3A = arith.constant 0 : index
    %get3A_0 = arith.constant 0 : index
    %get3A_1 = vector.load %arg0[%get3A, %get3A_0] : memref<512x512xf32, #tpu.memory_space<vmem>>, vector<512x512xf32>
    %transpose3A = tpu.transpose %get3A_1, [1, 0] : vector<512x512xf32> -> vector<512x512xf32>
    %add3A = arith.addf %get3A_1, %transpose3A : vector<512x512xf32>
    %gt3A = arith.constant 0.000000e+00 : f32
    %gt3A_2 = vector.broadcast %gt3A : f32 to vector<512x512xf32>
    %gt3A_3 = arith.cmpf ogt, %add3A, %gt3A_2 : vector<512x512xf32>
    %convert_element_type3A = arith.extui %gt3A_3 : vector<512x512xi1> to vector<512x512xi32>
    %convert_element_type3A_4 = arith.sitofp %convert_element_type3A : vector<512x512xi32> to vector<512x512xf32>
    %convert_element_type3A_5 = arith.truncf %convert_element_type3A_4 : vector<512x512xf32> to vector<512x512xbf16>
    %reduce_sum3A = arith.constant dense<0.000000e+00> : vector<512xf32>
    %reduce_sum3A_6 = vector.multi_reduction <add>, %convert_element_type3A_4, %reduce_sum3A [1] : vector<512x512xf32> to vector<512xf32>
    %broadcast_in_dim3A = vector.shape_cast %reduce_sum3A_6 : vector<512xf32> to vector<512x1xf32>
    %add3A_7 = arith.constant 1.000000e+00 : f32
    %add3A_8 = vector.broadcast %add3A_7 : f32 to vector<512x1xf32>
    %add3A_9 = arith.addf %broadcast_in_dim3A, %add3A_8 : vector<512x1xf32>
    %rsqrt3A = math.rsqrt %add3A_9 : vector<512x1xf32>
    %mul3A = arith.mulf %rsqrt3A, %rsqrt3A : vector<512x1xf32>
    %get3A_10 = arith.constant 0 : index
    %get3A_11 = arith.constant 0 : index
    %get3A_12 = vector.load %arg1[%get3A_10, %get3A_11] : memref<512x128xf32, #tpu.memory_space<vmem>>, vector<512x128xf32>
    %get3A_13 = arith.constant 0 : index
    %get3A_14 = arith.constant 0 : index
    %get3A_15 = vector.load %arg3[%get3A_13, %get3A_14] : memref<1x128xf32, #tpu.memory_space<vmem>>, vector<1x128xf32>
    %mul3A_16 = vector.broadcast %rsqrt3A : vector<512x1xf32> to vector<512x128xf32>
    %mul3A_17 = arith.mulf %get3A_12, %mul3A_16 : vector<512x128xf32>
    %convert_element_type3A_18 = arith.truncf %mul3A_17 : vector<512x128xf32> to vector<512x128xbf16>
    %convert_element_type3A_19 = arith.extf %convert_element_type3A_18 : vector<512x128xbf16> to vector<512x128xf32>
    %sub3A = arith.subf %mul3A_17, %convert_element_type3A_19 : vector<512x128xf32>
    %convert_element_type3A_20 = arith.truncf %sub3A : vector<512x128xf32> to vector<512x128xbf16>
    %convert_element_type3A_21 = arith.extf %convert_element_type3A_20 : vector<512x128xbf16> to vector<512x128xf32>
    %sub3A_22 = arith.subf %sub3A, %convert_element_type3A_21 : vector<512x128xf32>
    %convert_element_type3A_23 = arith.truncf %sub3A_22 : vector<512x128xf32> to vector<512x128xbf16>
    %dot_general3A = arith.constant dense<0.000000e+00> : vector<512x128xf32>
    %dot_general3A_24 = tpu.matmul %convert_element_type3A_5, %convert_element_type3A_18, %dot_general3A {dimension_numbers = #tpu.dot_dimension_numbers<[1], [0], [0], [1], [0, 0, 1, 1], [], []>, transpose_lhs_hint = false} : vector<512x512xbf16>, vector<512x128xbf16>, vector<512x128xf32> -> vector<512x128xf32>
    %dot_general3A_25 = arith.constant dense<0.000000e+00> : vector<512x128xf32>
    %dot_general3A_26 = tpu.matmul %convert_element_type3A_5, %convert_element_type3A_20, %dot_general3A_25 {dimension_numbers = #tpu.dot_dimension_numbers<[1], [0], [0], [1], [0, 0, 1, 1], [], []>, transpose_lhs_hint = false} : vector<512x512xbf16>, vector<512x128xbf16>, vector<512x128xf32> -> vector<512x128xf32>
    %add3A_27 = arith.addf %dot_general3A_24, %dot_general3A_26 : vector<512x128xf32>
    %dot_general3A_28 = arith.constant dense<0.000000e+00> : vector<512x128xf32>
    %dot_general3A_29 = tpu.matmul %convert_element_type3A_5, %convert_element_type3A_23, %dot_general3A_28 {dimension_numbers = #tpu.dot_dimension_numbers<[1], [0], [0], [1], [0, 0, 1, 1], [], []>, transpose_lhs_hint = false} : vector<512x512xbf16>, vector<512x128xbf16>, vector<512x128xf32> -> vector<512x128xf32>
    %add3A_30 = arith.addf %add3A_27, %dot_general3A_29 : vector<512x128xf32>
    %mul3A_31 = vector.broadcast %rsqrt3A : vector<512x1xf32> to vector<512x128xf32>
    %mul3A_32 = arith.mulf %add3A_30, %mul3A_31 : vector<512x128xf32>
    %mul3A_33 = vector.broadcast %mul3A : vector<512x1xf32> to vector<512x128xf32>
    %mul3A_34 = arith.mulf %get3A_12, %mul3A_33 : vector<512x128xf32>
    %add3A_35 = arith.addf %mul3A_32, %mul3A_34 : vector<512x128xf32>
    %add3A_36 = vector.broadcast %get3A_15 : vector<1x128xf32> to vector<512x128xf32>
    %add3A_37 = arith.addf %add3A_35, %add3A_36 : vector<512x128xf32>
    %max3A = arith.constant 0.000000e+00 : f32
    %max3A_38 = vector.broadcast %max3A : f32 to vector<512x128xf32>
    %max3A_39 = arith.maximumf %add3A_37, %max3A_38 : vector<512x128xf32>
    %get3A_40 = arith.constant 0 : index
    %get3A_41 = arith.constant 0 : index
    %get3A_42 = vector.load %arg4[%get3A_40, %get3A_41] : memref<128x128xf32, #tpu.memory_space<vmem>>, vector<128x128xf32>
    %dot_general3A_43 = arith.constant dense<0.000000e+00> : vector<512x128xf32>
    %dot_general3A_44 = tpu.matmul %max3A_39, %get3A_42, %dot_general3A_43 {dimension_numbers = #tpu.dot_dimension_numbers<[1], [0], [0], [1], [0, 0, 1, 1], [], []>, transpose_lhs_hint = false} : vector<512x128xf32>, vector<128x128xf32>, vector<512x128xf32> -> vector<512x128xf32>
    %get3A_45 = arith.constant 0 : index
    %get3A_46 = arith.constant 0 : index
    %get3A_47 = vector.load %arg5[%get3A_45, %get3A_46] : memref<1x128xf32, #tpu.memory_space<vmem>>, vector<1x128xf32>
    %mul3A_48 = vector.broadcast %rsqrt3A : vector<512x1xf32> to vector<512x128xf32>
    %mul3A_49 = arith.mulf %dot_general3A_44, %mul3A_48 : vector<512x128xf32>
    %convert_element_type3A_50 = arith.truncf %mul3A_49 : vector<512x128xf32> to vector<512x128xbf16>
    %convert_element_type3A_51 = arith.extf %convert_element_type3A_50 : vector<512x128xbf16> to vector<512x128xf32>
    %sub3A_52 = arith.subf %mul3A_49, %convert_element_type3A_51 : vector<512x128xf32>
    %convert_element_type3A_53 = arith.truncf %sub3A_52 : vector<512x128xf32> to vector<512x128xbf16>
    %convert_element_type3A_54 = arith.extf %convert_element_type3A_53 : vector<512x128xbf16> to vector<512x128xf32>
    %sub3A_55 = arith.subf %sub3A_52, %convert_element_type3A_54 : vector<512x128xf32>
    %convert_element_type3A_56 = arith.truncf %sub3A_55 : vector<512x128xf32> to vector<512x128xbf16>
    %dot_general3A_57 = arith.constant dense<0.000000e+00> : vector<512x128xf32>
    %dot_general3A_58 = tpu.matmul %convert_element_type3A_5, %convert_element_type3A_50, %dot_general3A_57 {dimension_numbers = #tpu.dot_dimension_numbers<[1], [0], [0], [1], [0, 0, 1, 1], [], []>, transpose_lhs_hint = false} : vector<512x512xbf16>, vector<512x128xbf16>, vector<512x128xf32> -> vector<512x128xf32>
    %dot_general3A_59 = arith.constant dense<0.000000e+00> : vector<512x128xf32>
    %dot_general3A_60 = tpu.matmul %convert_element_type3A_5, %convert_element_type3A_53, %dot_general3A_59 {dimension_numbers = #tpu.dot_dimension_numbers<[1], [0], [0], [1], [0, 0, 1, 1], [], []>, transpose_lhs_hint = false} : vector<512x512xbf16>, vector<512x128xbf16>, vector<512x128xf32> -> vector<512x128xf32>
    %add3A_61 = arith.addf %dot_general3A_58, %dot_general3A_60 : vector<512x128xf32>
    %dot_general3A_62 = arith.constant dense<0.000000e+00> : vector<512x128xf32>
    %dot_general3A_63 = tpu.matmul %convert_element_type3A_5, %convert_element_type3A_56, %dot_general3A_62 {dimension_numbers = #tpu.dot_dimension_numbers<[1], [0], [0], [1], [0, 0, 1, 1], [], []>, transpose_lhs_hint = false} : vector<512x512xbf16>, vector<512x128xbf16>, vector<512x128xf32> -> vector<512x128xf32>
    %add3A_64 = arith.addf %add3A_61, %dot_general3A_63 : vector<512x128xf32>
    %mul3A_65 = vector.broadcast %rsqrt3A : vector<512x1xf32> to vector<512x128xf32>
    %mul3A_66 = arith.mulf %add3A_64, %mul3A_65 : vector<512x128xf32>
    %mul3A_67 = vector.broadcast %mul3A : vector<512x1xf32> to vector<512x128xf32>
    %mul3A_68 = arith.mulf %dot_general3A_44, %mul3A_67 : vector<512x128xf32>
    %add3A_69 = arith.addf %mul3A_66, %mul3A_68 : vector<512x128xf32>
    %add3A_70 = vector.broadcast %get3A_47 : vector<1x128xf32> to vector<512x128xf32>
    %add3A_71 = arith.addf %add3A_69, %add3A_70 : vector<512x128xf32>
    %max3A_72 = arith.constant 0.000000e+00 : f32
    %max3A_73 = vector.broadcast %max3A_72 : f32 to vector<512x128xf32>
    %max3A_74 = arith.maximumf %add3A_71, %max3A_73 : vector<512x128xf32>
    %concatenate3A = tpu.concatenate %max3A_39, %max3A_74 in 1 : vector<512x128xf32>, vector<512x128xf32> -> vector<512x256xf32>
    %get3A_75 = arith.constant 0 : index
    %get3A_76 = arith.constant 0 : index
    %get3A_77 = vector.load %arg6[%get3A_75, %get3A_76] : memref<256x128xf32, #tpu.memory_space<vmem>>, vector<256x128xf32>
    %dot_general3A_78 = arith.constant dense<0.000000e+00> : vector<512x128xf32>
    %dot_general3A_79 = tpu.matmul %concatenate3A, %get3A_77, %dot_general3A_78 {dimension_numbers = #tpu.dot_dimension_numbers<[1], [0], [0], [1], [0, 0, 1, 1], [], []>, transpose_lhs_hint = false} : vector<512x256xf32>, vector<256x128xf32>, vector<512x128xf32> -> vector<512x128xf32>
    %get3A_80 = arith.constant 0 : index
    %get3A_81 = arith.constant 0 : index
    %get3A_82 = vector.load %arg7[%get3A_80, %get3A_81] : memref<1x128xf32, #tpu.memory_space<vmem>>, vector<1x128xf32>
    %add3A_83 = vector.broadcast %get3A_82 : vector<1x128xf32> to vector<512x128xf32>
    %add3A_84 = arith.addf %dot_general3A_79, %add3A_83 : vector<512x128xf32>
    %max3A_85 = arith.constant 0.000000e+00 : f32
    %max3A_86 = vector.broadcast %max3A_85 : f32 to vector<512x128xf32>
    %max3A_87 = arith.maximumf %add3A_84, %max3A_86 : vector<512x128xf32>
    %get3A_88 = arith.constant 0 : index
    %get3A_89 = arith.constant 0 : index
    %get3A_90 = vector.load %arg2[%get3A_88, %get3A_89] : memref<1x512xi32, #tpu.memory_space<vmem>>, vector<1x512xi32>
    %transpose3A_91 = tpu.transpose %get3A_90, [1, 0] : vector<1x512xi32> -> vector<512x1xi32>
    %iota3A = tpu.iota {dimensions = array<i32: 0>} : vector<16x512xi32>
    %eq3A = vector.broadcast %get3A_90 : vector<1x512xi32> to vector<16x512xi32>
    %eq3A_92 = arith.cmpi eq, %iota3A, %eq3A : vector<16x512xi32>
    %convert_element_type3A_93 = arith.extui %eq3A_92 : vector<16x512xi1> to vector<16x512xi32>
    %convert_element_type3A_94 = arith.sitofp %convert_element_type3A_93 : vector<16x512xi32> to vector<16x512xf32>
    %iota3A_95 = tpu.iota {dimensions = array<i32: 1>} : vector<512x16xi32>
    %eq3A_96 = vector.broadcast %transpose3A_91 : vector<512x1xi32> to vector<512x16xi32>
    %eq3A_97 = arith.cmpi eq, %iota3A_95, %eq3A_96 : vector<512x16xi32>
    %convert_element_type3A_98 = arith.extui %eq3A_97 : vector<512x16xi1> to vector<512x16xi32>
    %convert_element_type3A_99 = arith.sitofp %convert_element_type3A_98 : vector<512x16xi32> to vector<512x16xf32>
    %reduce_sum3A_100 = arith.constant dense<0.000000e+00> : vector<16xf32>
    %reduce_sum3A_101 = vector.multi_reduction <add>, %convert_element_type3A_94, %reduce_sum3A_100 [1] : vector<16x512xf32> to vector<16xf32>
    %broadcast_in_dim3A_102 = vector.shape_cast %reduce_sum3A_101 : vector<16xf32> to vector<16x1xf32>
    %dot_general3A_103 = arith.constant dense<0.000000e+00> : vector<16x128xf32>
    %dot_general3A_104 = tpu.matmul %convert_element_type3A_94, %max3A_87, %dot_general3A_103 {dimension_numbers = #tpu.dot_dimension_numbers<[1], [0], [0], [1], [0, 0, 1, 1], [], []>, precision = #tpu.contract_precision<fp32>, transpose_lhs_hint = false} : vector<16x512xf32>, vector<512x128xf32>, vector<16x128xf32> -> vector<16x128xf32>
    %max3A_105 = arith.constant 1.000000e+00 : f32
    %max3A_106 = vector.broadcast %max3A_105 : f32 to vector<16x1xf32>
    %max3A_107 = arith.maximumf %broadcast_in_dim3A_102, %max3A_106 : vector<16x1xf32>
    %div3A = vector.broadcast %max3A_107 : vector<16x1xf32> to vector<16x128xf32>
    %div3A_108 = arith.divf %dot_general3A_104, %div3A : vector<16x128xf32>
    %convert_element_type3A_109 = arith.truncf %max3A_87 : vector<512x128xf32> to vector<512x128xbf16>
    %convert_element_type3A_110 = arith.extf %convert_element_type3A_109 : vector<512x128xbf16> to vector<512x128xf32>
    %sub3A_111 = arith.subf %max3A_87, %convert_element_type3A_110 : vector<512x128xf32>
    %convert_element_type3A_112 = arith.truncf %sub3A_111 : vector<512x128xf32> to vector<512x128xbf16>
    %convert_element_type3A_113 = arith.extf %convert_element_type3A_112 : vector<512x128xbf16> to vector<512x128xf32>
    %sub3A_114 = arith.subf %sub3A_111, %convert_element_type3A_113 : vector<512x128xf32>
    %convert_element_type3A_115 = arith.truncf %sub3A_114 : vector<512x128xf32> to vector<512x128xbf16>
    %dot_general3A_116 = arith.constant dense<0.000000e+00> : vector<512x128xf32>
    %dot_general3A_117 = tpu.matmul %convert_element_type3A_5, %convert_element_type3A_109, %dot_general3A_116 {dimension_numbers = #tpu.dot_dimension_numbers<[1], [0], [0], [1], [0, 0, 1, 1], [], []>, transpose_lhs_hint = false} : vector<512x512xbf16>, vector<512x128xbf16>, vector<512x128xf32> -> vector<512x128xf32>
    %dot_general3A_118 = arith.constant dense<0.000000e+00> : vector<512x128xf32>
    %dot_general3A_119 = tpu.matmul %convert_element_type3A_5, %convert_element_type3A_112, %dot_general3A_118 {dimension_numbers = #tpu.dot_dimension_numbers<[1], [0], [0], [1], [0, 0, 1, 1], [], []>, transpose_lhs_hint = false} : vector<512x512xbf16>, vector<512x128xbf16>, vector<512x128xf32> -> vector<512x128xf32>
    %add3A_120 = arith.addf %dot_general3A_117, %dot_general3A_119 : vector<512x128xf32>
    %dot_general3A_121 = arith.constant dense<0.000000e+00> : vector<512x128xf32>
    %dot_general3A_122 = tpu.matmul %convert_element_type3A_5, %convert_element_type3A_115, %dot_general3A_121 {dimension_numbers = #tpu.dot_dimension_numbers<[1], [0], [0], [1], [0, 0, 1, 1], [], []>, transpose_lhs_hint = false} : vector<512x512xbf16>, vector<512x128xbf16>, vector<512x128xf32> -> vector<512x128xf32>
    %add3A_123 = arith.addf %add3A_120, %dot_general3A_122 : vector<512x128xf32>
    %get3A_124 = arith.constant 0 : index
    %get3A_125 = arith.constant 0 : index
    %get3A_126 = vector.load %arg9[%get3A_124, %get3A_125] : memref<128x1xf32, #tpu.memory_space<vmem>>, vector<128x1xf32>
    %dot_general3A_127 = arith.constant dense<0.000000e+00> : vector<512x1xf32>
    %dot_general3A_128 = tpu.matmul %add3A_123, %get3A_126, %dot_general3A_127 {dimension_numbers = #tpu.dot_dimension_numbers<[1], [0], [0], [1], [0, 0, 1, 1], [], []>, transpose_lhs_hint = false} : vector<512x128xf32>, vector<128x1xf32>, vector<512x1xf32> -> vector<512x1xf32>
    %get3A_129 = arith.constant 0 : index
    %get3A_130 = arith.constant 0 : index
    %get3A_131 = vector.load %arg8[%get3A_129, %get3A_130] : memref<128x1xf32, #tpu.memory_space<vmem>>, vector<128x1xf32>
    %dot_general3A_132 = arith.constant dense<0.000000e+00> : vector<512x1xf32>
    %dot_general3A_133 = tpu.matmul %max3A_87, %get3A_131, %dot_general3A_132 {dimension_numbers = #tpu.dot_dimension_numbers<[1], [0], [0], [1], [0, 0, 1, 1], [], []>, transpose_lhs_hint = false} : vector<512x128xf32>, vector<128x1xf32>, vector<512x1xf32> -> vector<512x1xf32>
    %add3A_134 = arith.addf %dot_general3A_128, %dot_general3A_133 : vector<512x1xf32>
    %get3A_135 = arith.constant 0 : index
    %get3A_136 = arith.constant 0 : index
    %get3A_137 = vector.load %arg10[%get3A_135, %get3A_136] : memref<1x1xf32, #tpu.memory_space<vmem>>, vector<1x1xf32>
    %add3A_138 = vector.broadcast %get3A_137 : vector<1x1xf32> to vector<512x1xf32>
    %add3A_139 = arith.addf %add3A_134, %add3A_138 : vector<512x1xf32>
    %transpose3A_140 = tpu.transpose %add3A_139, [1, 0] : vector<512x1xf32> -> vector<1x512xf32>
    %mul3A_141 = arith.constant 2.000000e-01 : f32
    %mul3A_142 = vector.broadcast %mul3A_141 : f32 to vector<16x1xf32>
    %mul3A_143 = arith.mulf %mul3A_142, %broadcast_in_dim3A_102 : vector<16x1xf32>
    %ceil3A = math.ceil %mul3A_143 : vector<16x1xf32>
    %dot_general3A_144 = arith.constant dense<0.000000e+00> : vector<512x1xf32>
    %dot_general3A_145 = tpu.matmul %convert_element_type3A_99, %ceil3A, %dot_general3A_144 {dimension_numbers = #tpu.dot_dimension_numbers<[1], [0], [0], [1], [0, 0, 1, 1], [], []>, precision = #tpu.contract_precision<fp32>, transpose_lhs_hint = false} : vector<512x16xf32>, vector<16x1xf32>, vector<512x1xf32> -> vector<512x1xf32>
    %eq3A_146 = vector.broadcast %transpose3A_91 : vector<512x1xi32> to vector<512x512xi32>
    %eq3A_147 = vector.broadcast %get3A_90 : vector<1x512xi32> to vector<512x512xi32>
    %eq3A_148 = arith.cmpi eq, %eq3A_146, %eq3A_147 : vector<512x512xi32>
    %iota3A_149 = tpu.iota {dimensions = array<i32: 0>} : vector<512x512xi32>
    %iota3A_150 = tpu.iota {dimensions = array<i32: 1>} : vector<512x512xi32>
    %gt3A_151 = vector.broadcast %transpose3A_140 : vector<1x512xf32> to vector<512x512xf32>
    %gt3A_152 = vector.broadcast %add3A_139 : vector<512x1xf32> to vector<512x512xf32>
    %gt3A_153 = arith.cmpf ogt, %gt3A_151, %gt3A_152 : vector<512x512xf32>
    %eq3A_154 = vector.broadcast %transpose3A_140 : vector<1x512xf32> to vector<512x512xf32>
    %eq3A_155 = vector.broadcast %add3A_139 : vector<512x1xf32> to vector<512x512xf32>
    %eq3A_156 = arith.cmpf oeq, %eq3A_154, %eq3A_155 : vector<512x512xf32>
    %lt3A = arith.cmpi slt, %iota3A_150, %iota3A_149 : vector<512x512xi32>
    %and3A = arith.andi %eq3A_156, %lt3A : vector<512x512xi1>
    %or3A = arith.ori %gt3A_153, %and3A : vector<512x512xi1>
    %and3A_157 = arith.andi %eq3A_148, %or3A : vector<512x512xi1>
    %jit3A = arith.constant 1.000000e+00 : f32
    %jit3A_158 = arith.constant 0.000000e+00 : f32
    %broadcast_in_dim3A_159 = vector.broadcast %jit3A : f32 to vector<512x512xf32>
    %broadcast_in_dim3A_160 = vector.broadcast %jit3A_158 : f32 to vector<512x512xf32>
    %select_n3A = arith.select %and3A_157, %broadcast_in_dim3A_159, %broadcast_in_dim3A_160 : vector<512x512xi1>, vector<512x512xf32>
    %reduce_sum3A_161 = arith.constant dense<0.000000e+00> : vector<512xf32>
    %reduce_sum3A_162 = vector.multi_reduction <add>, %select_n3A, %reduce_sum3A_161 [1] : vector<512x512xf32> to vector<512xf32>
    %broadcast_in_dim3A_163 = vector.shape_cast %reduce_sum3A_162 : vector<512xf32> to vector<512x1xf32>
    %lt3A_164 = arith.cmpf olt, %broadcast_in_dim3A_163, %dot_general3A_145 : vector<512x1xf32>
    %convert_element_type3A_165 = arith.extui %lt3A_164 : vector<512x1xi1> to vector<512x1xi32>
    %convert_element_type3A_166 = arith.sitofp %convert_element_type3A_165 : vector<512x1xi32> to vector<512x1xf32>
    %tanh3A = math.tanh %add3A_139 : vector<512x1xf32>
    %mul3A_167 = vector.broadcast %tanh3A : vector<512x1xf32> to vector<512x128xf32>
    %mul3A_168 = arith.mulf %max3A_87, %mul3A_167 : vector<512x128xf32>
    %transpose3A_169 = tpu.transpose %convert_element_type3A_166, [1, 0] : vector<512x1xf32> -> vector<1x512xf32>
    %mul3A_170 = vector.broadcast %transpose3A_169 : vector<1x512xf32> to vector<512x512xf32>
    %mul3A_171 = arith.mulf %convert_element_type3A_4, %mul3A_170 : vector<512x512xf32>
    %reduce_sum3A_172 = arith.constant dense<0.000000e+00> : vector<512xf32>
    %reduce_sum3A_173 = vector.multi_reduction <add>, %mul3A_171, %reduce_sum3A_172 [1] : vector<512x512xf32> to vector<512xf32>
    %broadcast_in_dim3A_174 = vector.shape_cast %reduce_sum3A_173 : vector<512xf32> to vector<512x1xf32>
    %mul3A_175 = arith.mulf %convert_element_type3A_166, %broadcast_in_dim3A_174 : vector<512x1xf32>
    %add3A_176 = arith.constant 1.000000e+00 : f32
    %add3A_177 = vector.broadcast %add3A_176 : f32 to vector<512x1xf32>
    %add3A_178 = arith.addf %add3A_177, %mul3A_175 : vector<512x1xf32>
    %rsqrt3A_179 = math.rsqrt %add3A_178 : vector<512x1xf32>
    %mul3A_180 = arith.mulf %rsqrt3A_179, %rsqrt3A_179 : vector<512x1xf32>
    %get3A_181 = arith.constant 0 : index
    %get3A_182 = arith.constant 0 : index
    %get3A_183 = vector.load %arg11[%get3A_181, %get3A_182] : memref<128x128xf32, #tpu.memory_space<vmem>>, vector<128x128xf32>
    %dot_general3A_184 = arith.constant dense<0.000000e+00> : vector<512x128xf32>
    %dot_general3A_185 = tpu.matmul %mul3A_168, %get3A_183, %dot_general3A_184 {dimension_numbers = #tpu.dot_dimension_numbers<[1], [0], [0], [1], [0, 0, 1, 1], [], []>, transpose_lhs_hint = false} : vector<512x128xf32>, vector<128x128xf32>, vector<512x128xf32> -> vector<512x128xf32>
    %get3A_186 = arith.constant 0 : index
    %get3A_187 = arith.constant 0 : index
    %get3A_188 = vector.load %arg12[%get3A_186, %get3A_187] : memref<1x128xf32, #tpu.memory_space<vmem>>, vector<1x128xf32>
    %mul3A_189 = vector.broadcast %rsqrt3A_179 : vector<512x1xf32> to vector<512x128xf32>
    %mul3A_190 = arith.mulf %dot_general3A_185, %mul3A_189 : vector<512x128xf32>
    %mul3A_191 = vector.broadcast %convert_element_type3A_166 : vector<512x1xf32> to vector<512x128xf32>
    %mul3A_192 = arith.mulf %mul3A_190, %mul3A_191 : vector<512x128xf32>
    %convert_element_type3A_193 = arith.truncf %mul3A_192 : vector<512x128xf32> to vector<512x128xbf16>
    %convert_element_type3A_194 = arith.extf %convert_element_type3A_193 : vector<512x128xbf16> to vector<512x128xf32>
    %sub3A_195 = arith.subf %mul3A_192, %convert_element_type3A_194 : vector<512x128xf32>
    %convert_element_type3A_196 = arith.truncf %sub3A_195 : vector<512x128xf32> to vector<512x128xbf16>
    %convert_element_type3A_197 = arith.extf %convert_element_type3A_196 : vector<512x128xbf16> to vector<512x128xf32>
    %sub3A_198 = arith.subf %sub3A_195, %convert_element_type3A_197 : vector<512x128xf32>
    %convert_element_type3A_199 = arith.truncf %sub3A_198 : vector<512x128xf32> to vector<512x128xbf16>
    %dot_general3A_200 = arith.constant dense<0.000000e+00> : vector<512x128xf32>
    %dot_general3A_201 = tpu.matmul %convert_element_type3A_5, %convert_element_type3A_193, %dot_general3A_200 {dimension_numbers = #tpu.dot_dimension_numbers<[1], [0], [0], [1], [0, 0, 1, 1], [], []>, transpose_lhs_hint = false} : vector<512x512xbf16>, vector<512x128xbf16>, vector<512x128xf32> -> vector<512x128xf32>
    %dot_general3A_202 = arith.constant dense<0.000000e+00> : vector<512x128xf32>
    %dot_general3A_203 = tpu.matmul %convert_element_type3A_5, %convert_element_type3A_196, %dot_general3A_202 {dimension_numbers = #tpu.dot_dimension_numbers<[1], [0], [0], [1], [0, 0, 1, 1], [], []>, transpose_lhs_hint = false} : vector<512x512xbf16>, vector<512x128xbf16>, vector<512x128xf32> -> vector<512x128xf32>
    %add3A_204 = arith.addf %dot_general3A_201, %dot_general3A_203 : vector<512x128xf32>
    %dot_general3A_205 = arith.constant dense<0.000000e+00> : vector<512x128xf32>
    %dot_general3A_206 = tpu.matmul %convert_element_type3A_5, %convert_element_type3A_199, %dot_general3A_205 {dimension_numbers = #tpu.dot_dimension_numbers<[1], [0], [0], [1], [0, 0, 1, 1], [], []>, transpose_lhs_hint = false} : vector<512x512xbf16>, vector<512x128xbf16>, vector<512x128xf32> -> vector<512x128xf32>
    %add3A_207 = arith.addf %add3A_204, %dot_general3A_206 : vector<512x128xf32>
    %mul3A_208 = vector.broadcast %convert_element_type3A_166 : vector<512x1xf32> to vector<512x128xf32>
    %mul3A_209 = arith.mulf %add3A_207, %mul3A_208 : vector<512x128xf32>
    %mul3A_210 = vector.broadcast %rsqrt3A_179 : vector<512x1xf32> to vector<512x128xf32>
    %mul3A_211 = arith.mulf %mul3A_209, %mul3A_210 : vector<512x128xf32>
    %mul3A_212 = vector.broadcast %mul3A_180 : vector<512x1xf32> to vector<512x128xf32>
    %mul3A_213 = arith.mulf %dot_general3A_185, %mul3A_212 : vector<512x128xf32>
    %add3A_214 = arith.addf %mul3A_211, %mul3A_213 : vector<512x128xf32>
    %add3A_215 = vector.broadcast %get3A_188 : vector<1x128xf32> to vector<512x128xf32>
    %add3A_216 = arith.addf %add3A_214, %add3A_215 : vector<512x128xf32>
    %max3A_217 = arith.constant 0.000000e+00 : f32
    %max3A_218 = vector.broadcast %max3A_217 : f32 to vector<512x128xf32>
    %max3A_219 = arith.maximumf %add3A_216, %max3A_218 : vector<512x128xf32>
    %get3A_220 = arith.constant 0 : index
    %get3A_221 = arith.constant 0 : index
    %get3A_222 = vector.load %arg13[%get3A_220, %get3A_221] : memref<128x128xf32, #tpu.memory_space<vmem>>, vector<128x128xf32>
    %dot_general3A_223 = arith.constant dense<0.000000e+00> : vector<512x128xf32>
    %dot_general3A_224 = tpu.matmul %max3A_219, %get3A_222, %dot_general3A_223 {dimension_numbers = #tpu.dot_dimension_numbers<[1], [0], [0], [1], [0, 0, 1, 1], [], []>, transpose_lhs_hint = false} : vector<512x128xf32>, vector<128x128xf32>, vector<512x128xf32> -> vector<512x128xf32>
    %get3A_225 = arith.constant 0 : index
    %get3A_226 = arith.constant 0 : index
    %get3A_227 = vector.load %arg14[%get3A_225, %get3A_226] : memref<1x128xf32, #tpu.memory_space<vmem>>, vector<1x128xf32>
    %mul3A_228 = vector.broadcast %rsqrt3A_179 : vector<512x1xf32> to vector<512x128xf32>
    %mul3A_229 = arith.mulf %dot_general3A_224, %mul3A_228 : vector<512x128xf32>
    %mul3A_230 = vector.broadcast %convert_element_type3A_166 : vector<512x1xf32> to vector<512x128xf32>
    %mul3A_231 = arith.mulf %mul3A_229, %mul3A_230 : vector<512x128xf32>
    %convert_element_type3A_232 = arith.truncf %mul3A_231 : vector<512x128xf32> to vector<512x128xbf16>
    %convert_element_type3A_233 = arith.extf %convert_element_type3A_232 : vector<512x128xbf16> to vector<512x128xf32>
    %sub3A_234 = arith.subf %mul3A_231, %convert_element_type3A_233 : vector<512x128xf32>
    %convert_element_type3A_235 = arith.truncf %sub3A_234 : vector<512x128xf32> to vector<512x128xbf16>
    %convert_element_type3A_236 = arith.extf %convert_element_type3A_235 : vector<512x128xbf16> to vector<512x128xf32>
    %sub3A_237 = arith.subf %sub3A_234, %convert_element_type3A_236 : vector<512x128xf32>
    %convert_element_type3A_238 = arith.truncf %sub3A_237 : vector<512x128xf32> to vector<512x128xbf16>
    %dot_general3A_239 = arith.constant dense<0.000000e+00> : vector<512x128xf32>
    %dot_general3A_240 = tpu.matmul %convert_element_type3A_5, %convert_element_type3A_232, %dot_general3A_239 {dimension_numbers = #tpu.dot_dimension_numbers<[1], [0], [0], [1], [0, 0, 1, 1], [], []>, transpose_lhs_hint = false} : vector<512x512xbf16>, vector<512x128xbf16>, vector<512x128xf32> -> vector<512x128xf32>
    %dot_general3A_241 = arith.constant dense<0.000000e+00> : vector<512x128xf32>
    %dot_general3A_242 = tpu.matmul %convert_element_type3A_5, %convert_element_type3A_235, %dot_general3A_241 {dimension_numbers = #tpu.dot_dimension_numbers<[1], [0], [0], [1], [0, 0, 1, 1], [], []>, transpose_lhs_hint = false} : vector<512x512xbf16>, vector<512x128xbf16>, vector<512x128xf32> -> vector<512x128xf32>
    %add3A_243 = arith.addf %dot_general3A_240, %dot_general3A_242 : vector<512x128xf32>
    %dot_general3A_244 = arith.constant dense<0.000000e+00> : vector<512x128xf32>
    %dot_general3A_245 = tpu.matmul %convert_element_type3A_5, %convert_element_type3A_238, %dot_general3A_244 {dimension_numbers = #tpu.dot_dimension_numbers<[1], [0], [0], [1], [0, 0, 1, 1], [], []>, transpose_lhs_hint = false} : vector<512x512xbf16>, vector<512x128xbf16>, vector<512x128xf32> -> vector<512x128xf32>
    %add3A_246 = arith.addf %add3A_243, %dot_general3A_245 : vector<512x128xf32>
    %mul3A_247 = vector.broadcast %convert_element_type3A_166 : vector<512x1xf32> to vector<512x128xf32>
    %mul3A_248 = arith.mulf %add3A_246, %mul3A_247 : vector<512x128xf32>
    %mul3A_249 = vector.broadcast %rsqrt3A_179 : vector<512x1xf32> to vector<512x128xf32>
    %mul3A_250 = arith.mulf %mul3A_248, %mul3A_249 : vector<512x128xf32>
    %mul3A_251 = vector.broadcast %mul3A_180 : vector<512x1xf32> to vector<512x128xf32>
    %mul3A_252 = arith.mulf %dot_general3A_224, %mul3A_251 : vector<512x128xf32>
    %add3A_253 = arith.addf %mul3A_250, %mul3A_252 : vector<512x128xf32>
    %add3A_254 = vector.broadcast %get3A_227 : vector<1x128xf32> to vector<512x128xf32>
    %add3A_255 = arith.addf %add3A_253, %add3A_254 : vector<512x128xf32>
    %max3A_256 = arith.constant 0.000000e+00 : f32
    %max3A_257 = vector.broadcast %max3A_256 : f32 to vector<512x128xf32>
    %max3A_258 = arith.maximumf %add3A_255, %max3A_257 : vector<512x128xf32>
    %concatenate3A_259 = tpu.concatenate %max3A_219, %max3A_258 in 1 : vector<512x128xf32>, vector<512x128xf32> -> vector<512x256xf32>
    %get3A_260 = arith.constant 0 : index
    %get3A_261 = arith.constant 0 : index
    %get3A_262 = vector.load %arg15[%get3A_260, %get3A_261] : memref<256x128xf32, #tpu.memory_space<vmem>>, vector<256x128xf32>
    %dot_general3A_263 = arith.constant dense<0.000000e+00> : vector<512x128xf32>
    %dot_general3A_264 = tpu.matmul %concatenate3A_259, %get3A_262, %dot_general3A_263 {dimension_numbers = #tpu.dot_dimension_numbers<[1], [0], [0], [1], [0, 0, 1, 1], [], []>, transpose_lhs_hint = false} : vector<512x256xf32>, vector<256x128xf32>, vector<512x128xf32> -> vector<512x128xf32>
    %get3A_265 = arith.constant 0 : index
    %get3A_266 = arith.constant 0 : index
    %get3A_267 = vector.load %arg16[%get3A_265, %get3A_266] : memref<1x128xf32, #tpu.memory_space<vmem>>, vector<1x128xf32>
    %add3A_268 = vector.broadcast %get3A_267 : vector<1x128xf32> to vector<512x128xf32>
    %add3A_269 = arith.addf %dot_general3A_264, %add3A_268 : vector<512x128xf32>
    %dot_general3A_270 = arith.constant dense<0.000000e+00> : vector<16x1xf32>
    %dot_general3A_271 = tpu.matmul %convert_element_type3A_94, %convert_element_type3A_166, %dot_general3A_270 {dimension_numbers = #tpu.dot_dimension_numbers<[1], [0], [0], [1], [0, 0, 1, 1], [], []>, precision = #tpu.contract_precision<fp32>, transpose_lhs_hint = false} : vector<16x512xf32>, vector<512x1xf32>, vector<16x1xf32> -> vector<16x1xf32>
    %mul3A_272 = vector.broadcast %convert_element_type3A_166 : vector<512x1xf32> to vector<512x128xf32>
    %mul3A_273 = arith.mulf %add3A_269, %mul3A_272 : vector<512x128xf32>
    %dot_general3A_274 = arith.constant dense<0.000000e+00> : vector<16x128xf32>
    %dot_general3A_275 = tpu.matmul %convert_element_type3A_94, %mul3A_273, %dot_general3A_274 {dimension_numbers = #tpu.dot_dimension_numbers<[1], [0], [0], [1], [0, 0, 1, 1], [], []>, precision = #tpu.contract_precision<fp32>, transpose_lhs_hint = false} : vector<16x512xf32>, vector<512x128xf32>, vector<16x128xf32> -> vector<16x128xf32>
    %max3A_276 = arith.constant 1.000000e+00 : f32
    %max3A_277 = vector.broadcast %max3A_276 : f32 to vector<16x1xf32>
    %max3A_278 = arith.maximumf %dot_general3A_271, %max3A_277 : vector<16x1xf32>
    %div3A_279 = vector.broadcast %max3A_278 : vector<16x1xf32> to vector<16x128xf32>
    %div3A_280 = arith.divf %dot_general3A_275, %div3A_279 : vector<16x128xf32>
    %concatenate3A_281 = tpu.concatenate %div3A_108, %div3A_280 in 1 : vector<16x128xf32>, vector<16x128xf32> -> vector<16x256xf32>
    %get3A_282 = arith.constant 0 : index
    %get3A_283 = arith.constant 0 : index
    %get3A_284 = vector.load %arg17[%get3A_282, %get3A_283] : memref<256x128xf32, #tpu.memory_space<vmem>>, vector<256x128xf32>
    %dot_general3A_285 = arith.constant dense<0.000000e+00> : vector<16x128xf32>
    %dot_general3A_286 = tpu.matmul %concatenate3A_281, %get3A_284, %dot_general3A_285 {dimension_numbers = #tpu.dot_dimension_numbers<[1], [0], [0], [1], [0, 0, 1, 1], [], []>, transpose_lhs_hint = false} : vector<16x256xf32>, vector<256x128xf32>, vector<16x128xf32> -> vector<16x128xf32>
    %get3A_287 = arith.constant 0 : index
    %get3A_288 = arith.constant 0 : index
    %get3A_289 = vector.load %arg18[%get3A_287, %get3A_288] : memref<1x128xf32, #tpu.memory_space<vmem>>, vector<1x128xf32>
    %add3A_290 = vector.broadcast %get3A_289 : vector<1x128xf32> to vector<16x128xf32>
    %add3A_291 = arith.addf %dot_general3A_286, %add3A_290 : vector<16x128xf32>
    %mul3A_292 = arith.mulf %add3A_291, %add3A_291 : vector<16x128xf32>
    %reduce_sum3A_293 = arith.constant dense<0.000000e+00> : vector<16xf32>
    %reduce_sum3A_294 = vector.multi_reduction <add>, %mul3A_292, %reduce_sum3A_293 [1] : vector<16x128xf32> to vector<16xf32>
    %broadcast_in_dim3A_295 = vector.shape_cast %reduce_sum3A_294 : vector<16xf32> to vector<16x1xf32>
    %sqrt3A = math.sqrt %broadcast_in_dim3A_295 : vector<16x1xf32>
    %add3A_296 = arith.constant 1.000000e-10 : f32
    %add3A_297 = vector.broadcast %add3A_296 : f32 to vector<16x1xf32>
    %add3A_298 = arith.addf %sqrt3A, %add3A_297 : vector<16x1xf32>
    %div3A_299 = vector.broadcast %add3A_298 : vector<16x1xf32> to vector<16x128xf32>
    %div3A_300 = arith.divf %add3A_291, %div3A_299 : vector<16x128xf32>
    %swap3A = arith.constant 0 : index
    %swap3A_301 = arith.constant 0 : index
    %swap3A_302 = vector.load %arg19[%swap3A, %swap3A_301] : memref<16x128xf32, #tpu.memory_space<vmem>>, vector<16x128xf32>
    tpu.vector_store %arg19[%swap3A, %swap3A_301], %div3A_300 {strides = array<i32>} : memref<16x128xf32, #tpu.memory_space<vmem>>, vector<16x128xf32>,
    return
  }
}

module attributes {stable_mosaic.version = 14 : i64} {
  func.func @_proj_body(%arg0: i32, %arg1: memref<300x7680xf32, #tpu.memory_space<vmem>>, %arg2: memref<300x128xf32, #tpu.memory_space<vmem>>, %arg3: memref<7680x128xf32, #tpu.memory_space<vmem>>) attributes {dimension_semantics = [#tpu.dimension_semantics<arbitrary>], iteration_bounds = array<i64: 4>, scalar_prefetch = 0 : i64, scratch_operands = 0 : i64, tpu.core_type = #tpu.core_type<tc>, window_params = [{transform_indices = @transform_0, window_bounds = array<i64: 300, 7680>}, {pipeline_mode = #tpu.pipeline_mode<synchronous>, transform_indices = @transform_1, window_bounds = array<i64: 300, 128>}, {transform_indices = @transform_2, window_bounds = array<i64: 7680, 128>}]} {
    %get3A = arith.constant 0 : index
    %get3A_0 = arith.constant 0 : index
    %get3A_1 = vector.load %arg1[%get3A, %get3A_0] : memref<300x7680xf32, #tpu.memory_space<vmem>>, vector<300x7680xf32>
    %get3A_2 = arith.constant 0 : index
    %get3A_3 = arith.constant 0 : index
    %get3A_4 = vector.load %arg2[%get3A_2, %get3A_3] : memref<300x128xf32, #tpu.memory_space<vmem>>, vector<300x128xf32>
    %dot_general3A = arith.constant dense<0.000000e+00> : vector<7680x128xf32>
    %dot_general3A_5 = tpu.matmul %get3A_1, %get3A_4, %dot_general3A {dimension_numbers = #tpu.dot_dimension_numbers<[0], [0], [1], [1], [0, 1, 1, 1], [], []>, transpose_lhs_hint = false} : vector<300x7680xf32>, vector<300x128xf32>, vector<7680x128xf32> -> vector<7680x128xf32>
    %swap3A = arith.constant 0 : index
    %swap3A_6 = arith.constant 0 : index
    %swap3A_7 = vector.load %arg3[%swap3A, %swap3A_6] : memref<7680x128xf32, #tpu.memory_space<vmem>>, vector<7680x128xf32>
    tpu.vector_store %arg3[%swap3A, %swap3A_6], %dot_general3A_5 {strides = array<i32>} : memref<7680x128xf32, #tpu.memory_space<vmem>>, vector<7680x128xf32>,
    return
  }
  func.func @transform_0(%arg0: i32) -> (i32, i32) {
    %c0_i32 = arith.constant 0 : i32
    %c0_i32_0 = arith.constant 0 : i32
    return %c0_i32, %arg0 : i32, i32
  }
  func.func @transform_1(%arg0: i32) -> (i32, i32) {
    %c0_i32 = arith.constant 0 : i32
    %c0_i32_0 = arith.constant 0 : i32
    %c0_i32_1 = arith.constant 0 : i32
    return %c0_i32, %c0_i32_0 : i32, i32
  }
  func.func @transform_2(%arg0: i32) -> (i32, i32) {
    %c0_i32 = arith.constant 0 : i32
    %c0_i32_0 = arith.constant 0 : i32
    return %arg0, %c0_i32 : i32, i32
  }
}

</mosaic_0001>

<sc_bundles>
// kernel: kernel.5.cloned.1.call-start
scs
__scs_entry_jumppad:
0x0: {  	(pc) =	sbr.rel $0x88, $3  }
0x1: {  	(tag) =	ssettag $0x0;
	lr =	simm.s32 $0x1  }
0x2: {  	[smem:$0x3F8C] =	sst lr;
	_ =	strace $0xD0000000  }
0x3: {  	_ = 	snop  }
0x4: {  	_ = 	snop  }
0x5: {  	_ = 	snop  }
0x6: {  	_ = 	snop  }
0x7: {  	_ = 	snop  }
__scs_overlays_trampoline_lowered:
0x8: {  	[smem:$0x3F9B] =	sst s0  }
0x9: {  	[smem:$0x3F9C] =	sst s1  }
0xa: {  	[smem:$0x3F9D] =	sst s2  }
0xb: {  	[smem:$0x3F9E] =	sst s3  }
0xc: {  	[smem:$0x3F9F] =	sst s4  }
0xd: {  	[smem:$0x3FA0] =	sst s5  }
0xe: {  	[smem:$0x3FA1] =	sst s6  }
0xf: {  	[smem:$0x3FA2] =	sst s7  }
0x10: {  	[smem:$0x3FA3] =	sst s8  }
0x11: {  	[smem:$0x3FA4] =	sst s9;
	s0 =	simm.s32 @!p0 $0x0  }
0x12: {  	s1 =	sld [smem:$0x3F8A];
	s0 =	simm.s32 @p0 $0x1  }
0x13: {  	[smem:$0x3FA5] =	sst s0;
	s0 =	simm.s32 @!p1 $0x0  }
0x14: {  	s2 =	sld [smem:$0x3F89];
	s0 =	simm.s32 @p1 $0x1  }
0x15: {  	[smem:$0x3FA6] =	sst s0;
	s0 =	simm.s32 @!p2 $0x0  }
0x16: {  	s3 =	sld [smem:$0x3FDB];
	s0 =	simm.s32 @p2 $0x1  }
0x17: {  	s4 =	simm.s32 $0x1BF5;
	[smem:$0x3FA8] =	sst s0  }
0x18: {  	s0 =	sld [smem:$0x3F8B];
	_ =	swait.ge [sflag:s4], $0x0  }
0x19: {  	s7 =	sld [smem:$0x3F8C]  }
0x1a: {  	s8 =	sadd.s32 $0xFFFFE003, lr  }
0x1b: {  	s9 =	sadd.s32 $0xFFFFFEF7, lr;
	s5 =	simm.s32 $0xFFFFFFFF;
	p2 =	slt.u32 s8, $0xFFFFF086  }
0x1c: {  	p1 =	slt.u32 s9, $0xF7A;
	s5 =	simm.s32 @!p2 $0x0  }
0x1d: {  	s5 =	simm.s32 @p1 $0x1;
	p0 =	seq.s32 s7, s2  }
0x1e: {  	s7 =	smul.u32 @!p0 $0xF7A, s2;
	p2 =	seq.s32 @!p0 s5, $0x0  }
0x1f: {  	s9 =	smul.u32 $0xF7A, s1;
	s8 =	simm.s32 @!p0 $0x1BF5;
	p2 =	por !p2, p0  }
0x20: {  	[sflag:s8] =	ssyncset.s32 @!p0 $0xFFFFF086;
	s6 =	sadd.s32 @!p0 s3, s7;
	s7 =	simm.s32 @!p0 $0x108  }
0x21: {  	s3 =	sadd.s32 s3, s9;
	s6 =	sadd.s32 @!p0 $0x88, s6;
	s7 =	simm.s32 @p2 $0x1082  }
0x22: {  	[simem:s7], [sflag:s8] =	dma.local @!p0 [hbm:s6], $0xF7A  }
0x23: {  	s9 =	sor.u32 $0xD0000000, s2;
	s6 =	simm.s32 $0x108;
	_ =	swait.ge @!p0 [sflag:s8], $0x0  }
0x24: {  	s3 =	sadd.s32 $0x88, s3;
	s6 =	simm.s32 @!p1 $0x1082;
	[sflag:s4] =	ssyncset.s32 $0xFFFFF086  }
0x25: {  	[simem:s6], [sflag:s4] =	dma.local [hbm:s3], $0xF7A  }
0x26: {  	[smem:$0x3F8C] =	sst s1;
	(tag) =	ssettag s2;
	_ =	strace s9  }
0x27: {  	s1 =	sld [smem:$0x3F9C]  }
0x28: {  	s2 =	sld [smem:$0x3F9D]  }
0x29: {  	s4 =	sld [smem:$0x3F9F]  }
0x2a: {  	p0 =	seq.s32 s5, $0x0;
	s5 =	sld [smem:$0x3FA0]  }
0x2b: {  	s6 =	sld [smem:$0x3FA1]  }
0x2c: {  	s7 =	sld [smem:$0x3FA2]  }
0x2d: {  	s3 =	simm.s32 $0x108;
	s8 =	sld [smem:$0x3FA3]  }
0x2e: {  	s3 =	simm.s32 @!p0 $0x1082;
	s9 =	sld [smem:$0x3FA4]  }
0x2f: {  	lr =	sadd.s32 s0, s3;
	s0 =	sld [smem:$0x3F9B]  }
0x30: {  	s3 =	sld [smem:$0x3F9E]  }
0x31: {  	[smem:$0x3FA7] =	sst s10  }
0x32: {  	s10 =	sld [smem:$0x3FA5];
	_ =	sdelay $0x3  }
0x33: {  	p0 =	seq.s32 s10, $0x1;
	s10 =	sld [smem:$0x3FA7];
	_ =	sdelay $0x3  }
0x34: {  	[smem:$0x3FA7] =	sst s10  }
0x35: {  	s10 =	sld [smem:$0x3FA6];
	_ =	sdelay $0x3  }
0x36: {  	p1 =	seq.s32 s10, $0x1;
	s10 =	sld [smem:$0x3FA7];
	_ =	sdelay $0x3  }
0x37: {  	[smem:$0x3FA7] =	sst s10  }
0x38: {  	s10 =	sld [smem:$0x3FA8]  }
0x39: {  	_ = 	snop;
	(pc) =	sbr.ind lr, $3  }
0x3a: {  	_ = 	snop  }
0x3b: {  	_ = 	snop  }
0x3c: {  	p2 =	seq.s32 s10, $0x1;
	s10 =	sld [smem:$0x3FA7]  }
0x3d: {  	_ =	shalt  }
0x3e: {  	_ =	shalt  }
0x3f: {  	_ =	shalt  }
0x40: {  	_ =	shalt  }
0x41: {  	_ =	shalt  }
0x42: {  	_ =	shalt  }
0x43: {  	_ =	shalt  }
0x44: {  	_ =	shalt  }
0x45: {  	_ =	shalt  }
0x46: {  	_ =	shalt  }
0x47: {  	_ =	shalt  }
0x48: {  	_ =	shalt  }
0x49: {  	_ =	shalt  }
0x4a: {  	_ =	shalt  }
0x4b: {  	_ =	shalt  }
0x4c: {  	_ =	shalt  }
0x4d: {  	_ =	shalt  }
0x4e: {  	_ =	shalt  }
0x4f: {  	_ =	shalt  }
0x50: {  	_ =	shalt  }
0x51: {  	_ =	shalt  }
0x52: {  	_ =	shalt  }
0x53: {  	_ =	shalt  }
0x54: {  	_ =	shalt  }
0x55: {  	_ =	shalt  }
0x56: {  	_ =	shalt  }
0x57: {  	_ =	shalt  }
0x58: {  	_ =	shalt  }
0x59: {  	_ =	shalt  }
0x5a: {  	_ =	shalt  }
0x5b: {  	_ =	shalt  }
0x5c: {  	_ =	shalt  }
0x5d: {  	_ =	shalt  }
0x5e: {  	_ =	shalt  }
0x5f: {  	_ =	shalt  }
0x60: {  	_ =	shalt  }
0x61: {  	_ =	shalt  }
0x62: {  	_ =	shalt  }
0x63: {  	_ =	shalt  }
0x64: {  	_ =	shalt  }
0x65: {  	_ =	shalt  }
0x66: {  	_ =	shalt  }
0x67: {  	_ =	shalt  }
0x68: {  	_ =	shalt  }
0x69: {  	_ =	shalt  }
0x6a: {  	_ =	shalt  }
0x6b: {  	_ =	shalt  }
0x6c: {  	_ =	shalt  }
0x6d: {  	_ =	shalt  }
0x6e: {  	_ =	shalt  }
0x6f: {  	_ =	shalt  }
0x70: {  	_ =	shalt  }
0x71: {  	_ =	shalt  }
0x72: {  	_ =	shalt  }
0x73: {  	_ =	shalt  }
0x74: {  	_ =	shalt  }
0x75: {  	_ =	shalt  }
0x76: {  	_ =	shalt  }
0x77: {  	_ =	shalt  }
0x78: {  	_ =	shalt  }
0x79: {  	_ =	shalt  }
0x7a: {  	_ =	shalt  }
0x7b: {  	_ =	shalt  }
0x7c: {  	_ =	shalt  }
0x7d: {  	_ =	shalt  }
0x7e: {  	_ =	shalt  }
0x7f: {  	_ =	shalt  }
0x80: {  	_ =	shalt  }
0x81: {  	_ =	shalt  }
0x82: {  	_ =	shalt  }
0x83: {  	_ =	shalt  }
0x84: {  	_ =	shalt  }
0x85: {  	_ =	shalt  }
0x86: {  	_ =	shalt  }
0x87: {  	_ =	shalt  }
.Lfunc_end0:
.L_simem_size_0:
called_computation_lowered:
.L_overlay_start_0:
0x88: {  	s2 =	sld [smem:$0x3FD9]  }
0x89: {  	s3 =	sld [smem:$0x3FFE];
	_ =	sdelay $0x1  }
0x8a: {  	s1 =	srdreg.scid  }
0x8b: {  	s0 =	sand.u32 $0x1, s1  }
0x8c: {  	s17 =	sshll.u32 s0, $0xA;
	s2 =	sadd.s32 s3, s2  }
0x8d: {  	s2 =	sadd.s32 s2, s17  }
0x8e: {  	[smem:$0x3FB3] =	sst s2  }
0x8f: {  	_ = 	snop  }
0x90: {  	s2 =	sld [smem:$0x3FC9];
	(tm) =	ssettm $0x1  }
0x91: {  	s18 =	sld [smem:$0x3FFB];
	_ =	sdelay $0x3  }
0x92: {  	_ =	strace s18  }
0x93: {  	s3 =	sld [smem:$0x3FFC];
	_ =	sdelay $0x3  }
0x94: {  	_ =	strace s3  }
0x95: {  	s3 =	sld [smem:$0x3FFD];
	_ =	sdelay $0x3  }
0x96: {  	_ =	strace s3  }
0x97: {  	_ =	strace $0x8FFFFFFF  }
0x98: {  	s19 =	sld [smem:$0x3FDB];
	_ =	sdelay $0x1  }
0x99: {  	s4 =	simm.s32 $_scs_section_size  }
0x9a: {  	s5 =	simm.s32 $_size__tile_overlayer_lowered;
	s6 =	simm.s32 $_tile_overlayer_lowered  }
0x9b: {  	s22 =	simm.s32 $0x1BFF;
	s21 =	sshll.u32 s6, $0x1;
	s3 =	sadd.s32 s4, s19  }
0x9c: {  	s7 =	simm.s32 $0x0;
	s20 =	sshll.u32 s5, $0x1;
	s5 =	sadd.s32 s21, s3  }
0x9d: {  	[timem:s7], [sflag:s22] =	dma.local [hbm:s5], s20  }
0x9e: {  	_ =	swait.ge [sflag:s22], s20  }
0x9f: {  	s4 =	ssub.s32 $0x0, s20;
	[sflag:s22] =	ssyncset.done $0x0  }
0xa0: {  	[sflag:s22] =	ssyncadd.s32 s4;
	_ =	sdelay $0x1  }
0xa1: {  	s23 =	simm.s32 $0x1B8B  }
0xa2: {  	_ =	swait.ge [sflag:s23], $0x1  }
0xa3: {  	[sflag:s23] =	ssyncset.done $0x0  }
0xa4: {  	s25 =	simm.s32 $0x1B8E;
	s24 =	sld [smem:$0x3FFE];
	[sflag:s23] =	ssyncadd.s32 $0xFFFFFFFF  }
0xa5: {  	s26 =	simm.s32 $execute0_lowered;
	[smem:$0x3FD2] =	sst s25  }
0xa6: {  	s5 =	sshll.u32 s26, $0x1;
	_ =	strace $0x80000046;
	[dreg:$0x1] =	wrdreg $0xFFFFFFFF  }
0xa7: {  	s28 =	simm.s32 $_size_execute0_lowered;
	s3 =	sadd.s32 s3, s5;
	[dreg:$0x0] =	wrdreg $0x0  }
0xa8: {  	s5 =	sshll.u32 s28, $0x1;
	[dreg:$0x2] =	wrdreg s3  }
0xa9: {  	[dreg:$0x3] =	wrdreg s5  }
0xaa: {  	[dreg:$0x4] =	wrdreg $0xC0  }
0xab: {  	_ =	task [dreg:s7], $0x5FFFF  }
0xac: {  	[dreg:$0x1] =	wrdreg $0xFFFFFFFF  }
0xad: {  	[dreg:$0x0] =	wrdreg $0x60  }
0xae: {  	[dreg:$0x2] =	wrdreg s24  }
0xaf: {  	[dreg:$0x3] =	wrdreg s2  }
0xb0: {  	[dreg:$0x4] =	wrdreg $0x9  }
0xb1: {  	_ =	task.clear_ibuf [dreg:s7], $0x5FFFF;
	_ =	strace $0x90000046  }
0xb2: {  	s29 =	simm.s32 $0x9;
	_ =	strace $0x80000048  }
0xb3: {  	_ =	swait.ge [sflag:s29], $0x1  }
0xb4: {  	[sflag:s29] =	ssyncadd.s32 $0xFFFFFFFF  }
0xb5: {  	_ =	strace $0x90000048  }
0xb6: {  	_ =	sfence  }
0xb7: {  	s30 =	sld [smem:$0x0];
	_ =	sdelay $0x2  }
0xb8: {  	s31 =	sshll.u32 s1, $0xD;
	s1 =	sshrl.u32 s1, $0x2  }
0xb9: {  	s3 =	sand.u32 $0x4000, s31;
	s1 =	sadd.s32 s1, s30  }
0xba: {  	s0 =	sor.u32 s3, s0;
	s1 =	sshll.u32 s1, $0x11  }
0xbb: {  	s0 =	sor.u32 s1, s0  }
0xbc: {  	s0 =	sadd.s32 $0x8F2B, s0  }
0xbd: {  	[sflag:s0] =	ssyncadd.remote.s32 $0x1  }
0xbe: {  	_ =	sfence.sel $0xFFFF  }
0xbf: {  	[dreg:$0x0] =	wrdreg $0xFFFFFFFF;
	(pc) =	sbr.abs _section_cstart, $3  }
0xc0: {  	[dreg:$0x1] =	wrdreg $0xFFFFFFFF  }
0xc1: {  	_ =	task.clear_ibuf [dreg:s7], $0x2FFFF;
	_ =	strace $0x9FFFFFFF  }
0xc2: {  	(tm) =	ssettm $0x7FFFFFFF  }
0xc3: {  	_ =	shalt  }
tec
execute0_lowered:
.L_overlay_start_1:
0x0: {  	(tag) =	ssettag $0x1  }
0x1: {  	s1 =	srdreg.scid;
	s9 =	rddreg [dreg:$0x0]  }
0x2: {  	s0 =	stileid.u32;
	s3 =	rddreg [dreg:$0x1]  }
0x3: {  	s2 =	simm.s32 $0x0;
	s7 =	simm.s32 $0x80;
	s6 =	sand.u32 $0x1, s1  }
0x4: {  	s4 =	sshll.u32 s0, $0x5;
	s1 =	rddreg [dreg:$0x2];
	s5 =	sshll.u32 s6, $0x4  }
0x5: {  	s8 =	simm.s32 $0x1;
	[smem:$0x7FF] =	sst s2;
	s10 =	sor.u32 s5, s4  }
0x6: {  	_ =	strace $0x80000047;
	s11 =	ssub.s32 $0x2, s6;
	s4 =	sshrl.u32 s10, $0x3  }
0x7: {  	s6 =	simm.s32 $0x10;
	s4 =	sadd.s32 s3, s4;
	s3 =	simm.s32 $0x2  }
0x8: {  	[tilespmem:s2], [sflag:$0x2] =	stream.linear.gather [hbm4b:s4+s2], $0x10, $0x38;
	[tilespmem:$0x880] =	vst v63  }
0x9: {  	s5 =	sadd.s32 $0x2C00, s9;
	s12 =	sshrl.u32 s11, $0x1;
	_ =	swait.ge [sflag:s3], $0x10  }
0xa: {  	s10 =	sshll.u32 s10, $0x4;
	s31 =	ssub.s32 s11, s12;
	[sflag:s3] =	ssyncset.done $0x0  }
0xb: {  	s9 =	sadd.s32 s10, s9;
	s10 =	smax.u32 s31, $0x1;
	[sflag:s3] =	ssyncadd.s32 $0xFFFFFFF0  }
0xc: {  	[tilespmem:s7], [sflag:$0x1] =	stream.indirect.gather [hbm4b:s5+s6], $0x80, s2, s6, $0xb8;
	[tilespmem:$0x880] =	vst v63  }
0xd: {  	p0 =	sne.s32 s10, $0x1;
	_ =	swait.ge [sflag:s8], $0x800  }
.Ltmp0:
0xe: {  	[sflag:s8] =	ssyncset.done $0x0;
	(pc) =	sbr.rel @!p0 .LBB2_2-.Ltmp0, $4  }
0xf: {  	s9 =	sadd.s32 $0x78000, s9;
	[sflag:s8] =	ssyncadd.s32 $0xFFFFF800  }
0x10: {  	[hbm4b:s9+s2] =	stream.linear.scatter [tilespmem:s7], [sflag:$0x2], $0x800, $0x38;
	[tilespmem:$0x880] =	vst v63  }
0x11: {  	_ =	swait.ge [sflag:s3], $0x800  }
0x12: {  	s10 =	sadd.s32 $0xFFFFFFFF, s10;
	[sflag:s3] =	ssyncset.done $0x0  }
.LBB2_1:
0x13: {  	p0 =	sne.s32 s10, $0x1;
	s10 =	sadd.s32 $0xFFFFFFFF, s10;
	[sflag:s3] =	ssyncadd.s32 $0xFFFFF800  }
0x14: {  	[tilespmem:s2], [sflag:$0x2] =	stream.linear.gather [hbm4b:s4+s2], $0x10, $0x38;
	[tilespmem:$0x880] =	vst v63  }
0x15: {  	_ =	swait.ge [sflag:s3], $0x10  }
0x16: {  	[sflag:s3] =	ssyncset.done $0x0  }
0x17: {  	[sflag:s3] =	ssyncadd.s32 $0xFFFFFFF0  }
0x18: {  	[tilespmem:s7], [sflag:$0x1] =	stream.indirect.gather [hbm4b:s5+s6], $0x80, s2, s6, $0xb8;
	[tilespmem:$0x880] =	vst v63  }
0x19: {  	_ =	swait.ge [sflag:s8], $0x800  }
.Ltmp1:
0x1a: {  	[sflag:s8] =	ssyncset.done $0x0;
	(pc) =	sbr.rel @p0 .LBB2_1-.Ltmp1, $4  }
0x1b: {  	[sflag:s8] =	ssyncadd.s32 $0xFFFFF800  }
0x1c: {  	[hbm4b:s9+s2] =	stream.linear.scatter [tilespmem:s7], [sflag:$0x2], $0x800, $0x38;
	[tilespmem:$0x880] =	vst v63  }
0x1d: {  	_ =	swait.ge [sflag:s3], $0x800  }
0x1e: {  	[sflag:s3] =	ssyncset.done $0x0  }
.LBB2_2:
0x1f: {  	[sflag:s3] =	ssyncadd.s32 $0xFFFFF800  }
0x20: {  	_ =	sfence.sel $0x180000  }
0x21: {  	[bflag:$0x0] =	sbarrier.arrive $0xFFFF  }
0x22: {  	p0 =	sne.s32 s0, $0x0;
	_ =	strace $0x90000047  }
0x23: {  	s0 =	sadd.s32 @!p0 $0x100000, s1;
	[bflag:$0x2] =	sbarrier.arrive $0xFFFF  }
0x24: {  	[sflag:s0] =	ssyncadd.tile.s32 @!p0 $0x1;
	_ =	shalt  }
.Lfunc_end2:
_tile_overlayer_lowered:
.L_overlay_start_2:
0x25: {  	(tag) =	ssettag $0x2  }
0x26: {  	s0 =	rddreg [dreg:$0x0];
	s2 =	stileid.u32  }
0x27: {  	s1 =	rddreg [dreg:$0x1];
	p0 =	sne.s32 s2, $0x0  }
0x28: {  	s3 =	rddreg [dreg:$0x2];
	[bflag:$0x3] =	sbarrier.arrive $0xFFFF;
	s2 =	simm.s32 @!p0 $0x1C02  }
0x29: {  	[timem:s3], [sflag:s2] =	dma.local @!p0 [hbm:s0], s1  }
0x2a: {  	s0 =	simm.s32 @!p0 $0x2  }
0x2b: {  	_ =	swait.ge @!p0 [sflag:s0], s1  }
0x2c: {  	s1 =	ssub.s32 @!p0 $0x0, s1;
	[sflag:s0] =	ssyncset.done @!p0 $0x0  }
0x2d: {  	[sflag:s0] =	ssyncadd.s32 @!p0 s1  }
0x2e: {  	[bflag:$0x3] =	sbarrier.arrive $0xFFFF  }
0x2f: {  	_ =	shalt  }

</sc_bundles>
